<compile_context>
chip_gen: v7x
topology: tpu7x:2x2x1
jax: 0.10.2.dev20260603
libtpu: 0.0.44.dev20260713+nightly
codegen_flags: <defaults>
</compile_context>

<pallas_src>
import functools

import jax
import jax.numpy as jnp
from jax import lax
from jax.experimental import pallas as pl
from jax.experimental.pallas import tpu as pltpu
from jax.experimental.pallas import tpu_sc as plsc

NC = 2
NS = 16
CHUNK = 80


ZR = 80

_BCAST_DN = lax.GatherDimensionNumbers(
    offset_dims=(), collapsed_slice_dims=(0,), start_index_map=(0,))


def _bcast_lane(v16, j):
    idx = jnp.full((16, 1), j, jnp.int32)
    return lax.gather(v16, idx, _BCAST_DN, (1,),
                      mode=lax.GatherScatterMode.PROMISE_IN_BOUNDS)


def _row_split(n_nodes):
    big = -(-n_nodes // NS)
    big = -(-big // ZR) * ZR
    last = n_nodes - (NS - 1) * big
    assert last >= 0 and last % ZR == 0
    return big, last


def _ranged_copy(s, n_nodes, do_copy):
    big, last = _row_split(n_nodes)

    @pl.when(s < NS - 1)
    def _():
        for i in range(big // ZR):
            do_copy(pl.multiple_of(s * big + i * ZR, 8), ZR)

    @pl.when(s == NS - 1)
    def _():
        for i in range(last // ZR):
            do_copy((NS - 1) * big + i * ZR, ZR)


@functools.partial(jax.jit, static_argnames=("n_nodes",))
def _sc_deg(col, ew, n_nodes):
    E = col.shape[0]
    NW = NC * NS
    EP = E // NW
    mesh = plsc.VectorSubcoreMesh(core_axis_name="c", subcore_axis_name="s")

    @functools.partial(
        pl.kernel, mesh=mesh,
        out_type=jax.ShapeDtypeStruct((NW * n_nodes,), jnp.float32),
        compiler_params=pltpu.CompilerParams(needs_layout_passes=False),
        scratch_types=[
            pltpu.VMEM((EP,), jnp.int32),
            pltpu.VMEM((EP,), jnp.float32),
            pltpu.VMEM((n_nodes,), jnp.float32),
        ],
    )
    def deg_kernel(col_hbm, ew_hbm, out, cidx_all, ew_all, acc):
        c = lax.axis_index("c")
        s = lax.axis_index("s")
        wid = c * NS + s
        tb = wid * EP

        zero16 = jnp.zeros((16,), jnp.float32)

        def zbody(i, carry):
            acc[pl.ds(pl.multiple_of(i * 16, 8), 16)] = zero16
            return carry

        lax.fori_loop(0, n_nodes // 16, zbody, 0)

        pltpu.sync_copy(col_hbm.at[pl.ds(tb, EP)], cidx_all)
        pltpu.sync_copy(ew_hbm.at[pl.ds(tb, EP)], ew_all)

        def body(t, carry):
            off = pl.multiple_of(t * 16, 8)
            cv = cidx_all[pl.ds(off, 16)]
            wv = ew_all[pl.ds(off, 16)]
            plsc.addupdate_scatter(acc, [cv], wv)
            return carry

        lax.fori_loop(0, EP // 16, body, 0)
        pltpu.sync_copy(acc,
                        out.at[pl.ds(pl.multiple_of(wid * n_nodes, 8),
                                     n_nodes)])

    return deg_kernel(col, ew)


@functools.partial(jax.jit, static_argnames=())
def _sc_agg(g, row, col, ew):
    n_nodes, D = g.shape
    E = row.shape[0]
    EP = E // (NC * NS)
    n_chunks = EP // CHUNK
    mesh = plsc.VectorSubcoreMesh(core_axis_name="c", subcore_axis_name="s")

    @functools.partial(
        pl.kernel, mesh=mesh,
        out_type=(jax.ShapeDtypeStruct((n_nodes, D), jnp.float32),
                  jax.ShapeDtypeStruct((n_nodes, D), jnp.float32)),
        scratch_types=[
            pltpu.VMEM((EP,), jnp.int32),
            pltpu.VMEM((EP,), jnp.float32),
            pltpu.VMEM((2, CHUNK), jnp.int32),
            pltpu.VMEM((2, CHUNK, D), jnp.float32),
            pltpu.VMEM_SHARED((n_nodes, D), jnp.float32),
            pltpu.SemaphoreType.DMA,
            pltpu.SemaphoreType.DMA,
            pltpu.SemaphoreType.DMA,
            pltpu.SemaphoreType.DMA,
            pltpu.SemaphoreType.DMA,
            pltpu.SemaphoreType.DMA,
        ],
    )
    def agg_kernel(g_hbm, row_hbm, col_hbm, ew_hbm, out0, out1,
                   ridx_all, ew_all, cidx, rows, acc,
                   gs0, gs1, ss0, ss1, is0, is1):
        gsem = [gs0, gs1]
        ssem = [ss0, ss1]
        isem = [is0, is1]
        c = lax.axis_index("c")
        s = lax.axis_index("s")
        tb = (c * NS + s) * EP

        zero16 = jnp.zeros((16,), jnp.float32)
        for i in range(ZR):
            for f in range(D // 16):
                rows[0, i, pl.ds(f * 16, 16)] = zero16
        _ranged_copy(s, n_nodes,
                     lambda off, n: pltpu.sync_copy(
                         rows.at[0, pl.ds(0, ZR)], acc.at[pl.ds(off, n)]))
        plsc.subcore_barrier()

        pltpu.sync_copy(row_hbm.at[pl.ds(tb, EP)], ridx_all)
        pltpu.sync_copy(ew_hbm.at[pl.ds(tb, EP)], ew_all)

        def start_chunk(t, buf):
            off = pl.multiple_of(t * CHUNK, 8)
            pltpu.async_copy(col_hbm.at[pl.ds(tb + off, CHUNK)],
                             cidx.at[buf], isem[buf])
            pltpu.async_copy(g_hbm.at[ridx_all.at[pl.ds(off, CHUNK)]],
                             rows.at[buf], gsem[buf])

        def drain_scatter(buf):
            pltpu.make_async_copy(rows.at[buf], acc.at[cidx.at[buf]],
                                  ssem[buf]).wait()

        def handle(t, buf, other):
            @pl.when(t >= 1)
            def _():
                drain_scatter(other)

            @pl.when(t + 1 < n_chunks)
            def _():
                start_chunk(t + 1, other)

            pltpu.make_async_copy(g_hbm.at[ridx_all.at[pl.ds(0, CHUNK)]],
                                  rows.at[buf], gsem[buf]).wait()

            def scale_body(gi, carry):
                goff = pl.multiple_of(t * CHUNK + gi * 16, 8)
                ewg = ew_all[pl.ds(goff, 16)]
                for j in range(16):
                    m = gi * 16 + j
                    w = _bcast_lane(ewg, j)
                    for f in range(D // 16):
                        sl = pl.ds(f * 16, 16)
                        rows[buf, m, sl] = rows[buf, m, sl] * w
                return carry

            lax.fori_loop(0, CHUNK // 16, scale_body, 0)

            pltpu.make_async_copy(col_hbm.at[pl.ds(tb, CHUNK)],
                                  cidx.at[buf], isem[buf]).wait()
            pltpu.async_copy(rows.at[buf], acc.at[cidx.at[buf]],
                             ssem[buf], add=True)

        start_chunk(0, 0)

        def pair(i, carry):
            handle(2 * i, 0, 1)
            handle(2 * i + 1, 1, 0)
            return carry

        lax.fori_loop(0, n_chunks // 2, pair, 0)
        if n_chunks % 2:
            handle(n_chunks - 1, 1 - (n_chunks % 2), n_chunks % 2)
        drain_scatter((n_chunks - 1) % 2)
        plsc.subcore_barrier()

        @pl.when(c == 0)
        def _():
            _ranged_copy(s, n_nodes,
                         lambda off, n: pltpu.sync_copy(
                             acc.at[pl.ds(off, n)], out0.at[pl.ds(off, n)]))

        @pl.when(c == 1)
        def _():
            _ranged_copy(s, n_nodes,
                         lambda off, n: pltpu.sync_copy(
                             acc.at[pl.ds(off, n)], out1.at[pl.ds(off, n)]))

    return agg_kernel(g, row, col, ew)


_BLK = 1000


def _tc_dis(deg_parts):
    NW, N = deg_parts.shape

    def body(dp, disr):
        deg = jnp.sum(dp[...], axis=0) + 1.0
        disr[...] = jnp.where(deg > 0, lax.rsqrt(deg), 0.0)[:, None]

    return pl.pallas_call(
        body,
        grid=(1,),
        in_specs=[pl.BlockSpec((NW, N), lambda i: (0, 0))],
        out_specs=pl.BlockSpec((N, 1), lambda i: (0, 0)),
        out_shape=jax.ShapeDtypeStruct((N, 1), jnp.float32),
    )(deg_parts)


def _tc_stage0(dis, x, W1):
    N, DF = x.shape
    DH = W1.shape[1]

    def body(disr, xr, wr, gr):
        gr[...] = jnp.dot(xr[...], wr[...],
                          preferred_element_type=jnp.float32) * disr[...]

    return pl.pallas_call(
        body,
        grid=(N // _BLK,),
        in_specs=[pl.BlockSpec((_BLK, 1), lambda i: (i, 0)),
                  pl.BlockSpec((_BLK, DF), lambda i: (i, 0)),
                  pl.BlockSpec((DF, DH), lambda i: (0, 0))],
        out_specs=pl.BlockSpec((_BLK, DH), lambda i: (i, 0)),
        out_shape=jax.ShapeDtypeStruct((N, DH), jnp.float32),
    )(dis, x, W1)


def _tc_stage1(a0, a1, g1, dis, b1, W2):
    N, DH = g1.shape

    def body(a0r, a1r, gr, disr, br, wr, outr):
        dis_ = disr[...]
        out1 = (a0r[...] + a1r[...] + gr[...]) * dis_ + br[...]
        outr[...] = jnp.dot(out1, wr[...],
                            preferred_element_type=jnp.float32) * dis_

    return pl.pallas_call(
        body,
        grid=(N // _BLK,),
        in_specs=[pl.BlockSpec((_BLK, DH), lambda i: (i, 0)),
                  pl.BlockSpec((_BLK, DH), lambda i: (i, 0)),
                  pl.BlockSpec((_BLK, DH), lambda i: (i, 0)),
                  pl.BlockSpec((_BLK, 1), lambda i: (i, 0)),
                  pl.BlockSpec((1, DH), lambda i: (0, 0)),
                  pl.BlockSpec((DH, DH), lambda i: (0, 0))],
        out_specs=pl.BlockSpec((_BLK, DH), lambda i: (i, 0)),
        out_shape=jax.ShapeDtypeStruct((N, DH), jnp.float32),
    )(a0, a1, g1, dis, b1, W2)


def _tc_stage2(a0, a1, g2, dis, b2, Wl1, bl1, Wl2, bl2):
    N, DH = g2.shape
    DO = Wl2.shape[1]

    def body(a0r, a1r, gr, disr, br, w1r, b1r, w2r, b2r, yr):
        dis_ = disr[...]
        out2 = (a0r[...] + a1r[...] + gr[...]) * dis_ + br[...]
        m = jnp.dot(out2, w1r[...], preferred_element_type=jnp.float32)
        m = jnp.maximum(m + b1r[...], 0.0)
        yr[...] = jnp.dot(m, w2r[...],
                          preferred_element_type=jnp.float32) + b2r[...]

    return pl.pallas_call(
        body,
        grid=(N // _BLK,),
        in_specs=[pl.BlockSpec((_BLK, DH), lambda i: (i, 0)),
                  pl.BlockSpec((_BLK, DH), lambda i: (i, 0)),
                  pl.BlockSpec((_BLK, DH), lambda i: (i, 0)),
                  pl.BlockSpec((_BLK, 1), lambda i: (i, 0)),
                  pl.BlockSpec((1, DH), lambda i: (0, 0)),
                  pl.BlockSpec((DH, DH), lambda i: (0, 0)),
                  pl.BlockSpec((1, DH), lambda i: (0, 0)),
                  pl.BlockSpec((DH, DO), lambda i: (0, 0)),
                  pl.BlockSpec((1, DO), lambda i: (0, 0))],
        out_specs=pl.BlockSpec((_BLK, DO), lambda i: (i, 0)),
        out_shape=jax.ShapeDtypeStruct((N, DO), jnp.float32),
    )(a0, a1, g2, dis, b2, Wl1, bl1, Wl2, bl2)


def kernel(x, edge_index, edge_weight, W1, b1, W2, b2, Wl1, bl1, Wl2, bl2):
    n_nodes = x.shape[0]
    row = edge_index[0]
    col = edge_index[1]
    ew = edge_weight.astype(jnp.float32)

    E = row.shape[0]
    quantum = NC * NS * CHUNK
    E_pad = -(-E // quantum) * quantum
    if E_pad != E:
        pad = E_pad - E
        row = jnp.concatenate([row, jnp.zeros((pad,), row.dtype)])
        col = jnp.concatenate([col, jnp.zeros((pad,), col.dtype)])
        ew = jnp.concatenate([ew, jnp.zeros((pad,), ew.dtype)])

    deg_flat = _sc_deg(col, ew, n_nodes)
    dis = _tc_dis(deg_flat.reshape(NC * NS, n_nodes))
    g1 = _tc_stage0(dis, x, W1)
    a0, a1 = _sc_agg(g1, row, col, ew)
    g2 = _tc_stage1(a0, a1, g1, dis, b1.reshape(1, -1), W2)
    c0, c1 = _sc_agg(g2, row, col, ew)
    y = _tc_stage2(c0, c1, g2, dis, b2.reshape(1, -1),
                   Wl1, bl1.reshape(1, -1), Wl2, bl2.reshape(1, -1))
    return y

# --- scband reference (transcript-rebuilt; emitter-appended) ---
"""Pipeline reference for scband-multi-layer-gcn-31920196943929 (READ-ONLY COPY).

The authoritative reference and input builder live on the scoring server;
editing this copy changes nothing except your own understanding.
"""

import jax, jax.numpy as jnp
import numpy as np

N_NODES = 10000
N_EDGES = 320000
D_FEAT = 128
D_HID = 128
D_OUT = 128


def setup_inputs(seed: int = 0) -> dict:
    key = jax.random.key(seed)
    ks = jax.random.split(key, 12)
    x = jax.random.normal(ks[0], (N_NODES, D_FEAT), dtype=jnp.float32)
    edge_index = jax.random.randint(ks[1], (2, N_EDGES), 0, N_NODES, dtype=jnp.int64 if jax.config.jax_enable_x64 else jnp.int32).astype(jnp.int32)
    edge_weight = jax.random.uniform(ks[2], (N_EDGES,), dtype=jnp.float32)
    s = 1.0 / np.sqrt(D_FEAT)
    W1 = jax.random.uniform(ks[3], (D_FEAT, D_HID), dtype=jnp.float32, minval=-s, maxval=s)
    b1 = jnp.zeros((D_HID,), dtype=jnp.float32)
    W2 = jax.random.uniform(ks[4], (D_HID, D_HID), dtype=jnp.float32, minval=-s, maxval=s)
    b2 = jnp.zeros((D_HID,), dtype=jnp.float32)
    Wl1 = jax.random.uniform(ks[5], (D_HID, D_HID), dtype=jnp.float32, minval=-s, maxval=s)
    bl1 = jax.random.uniform(ks[6], (D_HID,), dtype=jnp.float32, minval=-s, maxval=s)
    Wl2 = jax.random.uniform(ks[7], (D_HID, D_OUT), dtype=jnp.float32, minval=-s, maxval=s)
    bl2 = jax.random.uniform(ks[8], (D_OUT,), dtype=jnp.float32, minval=-s, maxval=s)
    return {"x": x, "edge_index": edge_index, "edge_weight": edge_weight,
            "W1": W1, "b1": b1, "W2": W2, "b2": b2,
            "Wl1": Wl1, "bl1": bl1, "Wl2": Wl2, "bl2": bl2}


def gcn_conv(x, edge_index, edge_weight, W, b):
    # Faithful PyG GCNConv: linear transform, add self-loops, symmetric normalization, scatter-add aggregate
    n = x.shape[0]
    row = edge_index[0]
    col = edge_index[1]
    loop = jnp.arange(n, dtype=row.dtype)
    row_f = jnp.concatenate([row, loop])
    col_f = jnp.concatenate([col, loop])
    ew_f = jnp.concatenate([edge_weight, jnp.ones((n,), dtype=edge_weight.dtype)])
    deg = jnp.zeros((n,), dtype=edge_weight.dtype).at[col_f].add(ew_f)
    deg_inv_sqrt = jnp.where(deg > 0, deg ** -0.5, 0.0)
    norm = deg_inv_sqrt[row_f] * ew_f * deg_inv_sqrt[col_f]
    h = x @ W
    msg = h[row_f] * norm[:, None]
    out = jnp.zeros_like(h).at[col_f].add(msg)
    return out + b


def reference(x, edge_index, edge_weight, W1, b1, W2, b2, Wl1, bl1, Wl2, bl2):
    h = gcn_conv(x, edge_index, edge_weight, W1, b1)
    h = gcn_conv(h, edge_index, edge_weight, W2, b2)
    # linear_layers: Linear -> ReLU -> Dropout(p=0.0, identity) -> Linear
    h = jax.nn.relu(h @ Wl1 + bl1)
    out = h @ Wl2 + bl2
    return out

if __name__ == "__main__":
    import jax
    _d = setup_inputs()
    print(jax.jit(kernel)(*tuple(_d.values())))

</pallas_src>

<mosaic_0001>
#map = affine_map<(d0, d1) -> (0)>
module attributes {stable_mosaic.version = 14 : i64} {
  func.func @deg_kernel(%arg0: i32, %arg1: i32, %arg2: memref<320000xi32, #tpu.memory_space<hbm>>, %arg3: memref<320000xf32, #tpu.memory_space<hbm>>, %arg4: memref<320000xf32, #tpu.memory_space<hbm>>, %arg5: memref<10000xi32, #tpu.memory_space<vmem>>, %arg6: memref<10000xf32, #tpu.memory_space<vmem>>, %arg7: memref<10000xf32, #tpu.memory_space<vmem>>) attributes {dimension_semantics = [#tpu.dimension_semantics<core_parallel>, #tpu.dimension_semantics<subcore_parallel>], iteration_bounds = array<i64: 2, 16>, scalar_prefetch = 0 : i64, scratch_operands = 3 : i64, tpu.core_type = #tpu.core_type<sc_vector_subcore>, window_params = [{transform_indices = #map}, {transform_indices = #map}, {transform_indices = #map}]} {
    %mul3A = arith.constant 16 : i32
    %mul3A_0 = arith.muli %arg0, %mul3A : i32
    %add3A = arith.addi %mul3A_0, %arg1 : i32
    %mul3A_1 = arith.constant 10000 : i32
    %mul3A_2 = arith.muli %add3A, %mul3A_1 : i32
    %broadcast_in_dim3A = arith.constant 0.000000e+00 : f32
    %broadcast_in_dim3A_3 = vector.broadcast %broadcast_in_dim3A : f32 to vector<16xf32>
    %scan3A = arith.constant 0 : i32
    %scan3A_4 = arith.constant 0 : i32
    %scan3A_5 = arith.constant 625 : i32
    %scan3A_6 = arith.addi %scan3A_4, %scan3A_5 : i32
    %scan3A_7 = arith.constant 1 : i32
    scf.for %scan3A_17 = %scan3A_4 to %scan3A_6 step %scan3A_7  : i32 {
      %mul3A_18 = arith.constant 16 : i32
      %mul3A_19 = arith.muli %scan3A_17, %mul3A_18 : i32
      %multiple_of3A_20 = tpu.assume_multiple %mul3A_19, 8 : i32
      %swap3A = arith.index_cast %multiple_of3A_20 : i32 to index
      %swap3A_21 = tpu.vector_load %arg7[%swap3A] {strides = array<i32>} : memref<10000xf32, #tpu.memory_space<vmem>>, vector<16xf32>,
      tpu.vector_store %arg7[%swap3A], %broadcast_in_dim3A_3 {strides = array<i32>} : memref<10000xf32, #tpu.memory_space<vmem>>, vector<16xf32>,
    }
    %scan3A_8 = arith.constant 625 : i32
    "tpu.region"() ({
      %run_scoped3A = tpu.sem_alloc : memref<!tpu.dma_semaphore, #tpu.memory_space<semaphore_mem>>
      %dma_start3A = tpu.memref_slice %arg2[%mul3A_2] : memref<320000xi32, #tpu.memory_space<hbm>> -> memref<10000xi32, #tpu.memory_space<hbm>>
      %dma_start3A_17 = tpu.memref_slice %arg2[%mul3A_2] : memref<320000xi32, #tpu.memory_space<hbm>> -> memref<10000xi32, #tpu.memory_space<hbm>>
      tpu.enqueue_dma source(%dma_start3A_17 : memref<10000xi32, #tpu.memory_space<hbm>>) target(%arg5 : memref<10000xi32, #tpu.memory_space<vmem>>) target_semaphore(%run_scoped3A : memref<!tpu.dma_semaphore, #tpu.memory_space<semaphore_mem>>)
      %dma_wait3A = tpu.memref_slice %arg2[%mul3A_2] : memref<320000xi32, #tpu.memory_space<hbm>> -> memref<10000xi32, #tpu.memory_space<hbm>>
      %dma_wait3A_18 = tpu.memref_slice %arg2[%mul3A_2] : memref<320000xi32, #tpu.memory_space<hbm>> -> memref<10000xi32, #tpu.memory_space<hbm>>
      tpu.wait_dma2 semaphore(%run_scoped3A : memref<!tpu.dma_semaphore, #tpu.memory_space<semaphore_mem>>) src(%dma_wait3A_18 : memref<10000xi32, #tpu.memory_space<hbm>>) dst(%arg5 : memref<10000xi32, #tpu.memory_space<vmem>>)
      tpu.yield
    }) : () -> ()
    "tpu.region"() ({
      %run_scoped3A = tpu.sem_alloc : memref<!tpu.dma_semaphore, #tpu.memory_space<semaphore_mem>>
      %dma_start3A = tpu.memref_slice %arg3[%mul3A_2] : memref<320000xf32, #tpu.memory_space<hbm>> -> memref<10000xf32, #tpu.memory_space<hbm>>
      %dma_start3A_17 = tpu.memref_slice %arg3[%mul3A_2] : memref<320000xf32, #tpu.memory_space<hbm>> -> memref<10000xf32, #tpu.memory_space<hbm>>
      tpu.enqueue_dma source(%dma_start3A_17 : memref<10000xf32, #tpu.memory_space<hbm>>) target(%arg6 : memref<10000xf32, #tpu.memory_space<vmem>>) target_semaphore(%run_scoped3A : memref<!tpu.dma_semaphore, #tpu.memory_space<semaphore_mem>>)
      %dma_wait3A = tpu.memref_slice %arg3[%mul3A_2] : memref<320000xf32, #tpu.memory_space<hbm>> -> memref<10000xf32, #tpu.memory_space<hbm>>
      %dma_wait3A_18 = tpu.memref_slice %arg3[%mul3A_2] : memref<320000xf32, #tpu.memory_space<hbm>> -> memref<10000xf32, #tpu.memory_space<hbm>>
      tpu.wait_dma2 semaphore(%run_scoped3A : memref<!tpu.dma_semaphore, #tpu.memory_space<semaphore_mem>>) src(%dma_wait3A_18 : memref<10000xf32, #tpu.memory_space<hbm>>) dst(%arg6 : memref<10000xf32, #tpu.memory_space<vmem>>)
      tpu.yield
    }) : () -> ()
    %scan3A_9 = arith.constant 0 : i32
    %scan3A_10 = arith.constant 0 : i32
    %scan3A_11 = arith.constant 625 : i32
    %scan3A_12 = arith.addi %scan3A_10, %scan3A_11 : i32
    %scan3A_13 = arith.constant 1 : i32
    scf.for %scan3A_17 = %scan3A_10 to %scan3A_12 step %scan3A_13  : i32 {
      %mul3A_18 = arith.constant 16 : i32
      %mul3A_19 = arith.muli %scan3A_17, %mul3A_18 : i32
      %multiple_of3A_20 = tpu.assume_multiple %mul3A_19, 8 : i32
      %get3A = arith.index_cast %multiple_of3A_20 : i32 to index
      %get3A_21 = tpu.vector_load %arg5[%get3A] {strides = array<i32>} : memref<10000xi32, #tpu.memory_space<vmem>>, vector<16xi32>,
      %get3A_22 = arith.index_cast %multiple_of3A_20 : i32 to index
      %get3A_23 = tpu.vector_load %arg6[%get3A_22] {strides = array<i32>} : memref<10000xf32, #tpu.memory_space<vmem>>, vector<16xf32>,
      tpu.vector_store_idx %arg7[%get3A_21], %get3A_23 {add = true} : memref<10000xf32, #tpu.memory_space<vmem>>[vector<16xi32>], vector<16xf32>,
    }
    %scan3A_14 = arith.constant 625 : i32
    %mul3A_15 = arith.constant 10000 : i32
    %mul3A_16 = arith.muli %add3A, %mul3A_15 : i32
    %multiple_of3A = tpu.assume_multiple %mul3A_16, 8 : i32
    "tpu.region"() ({
      %run_scoped3A = tpu.sem_alloc : memref<!tpu.dma_semaphore, #tpu.memory_space<semaphore_mem>>
      %dma_start3A = tpu.memref_slice %arg4[%multiple_of3A] : memref<320000xf32, #tpu.memory_space<hbm>> -> memref<10000xf32, #tpu.memory_space<hbm>>
      %dma_start3A_17 = tpu.memref_slice %arg4[%multiple_of3A] : memref<320000xf32, #tpu.memory_space<hbm>> -> memref<10000xf32, #tpu.memory_space<hbm>>
      tpu.enqueue_dma source(%arg7 : memref<10000xf32, #tpu.memory_space<vmem>>) target(%dma_start3A_17 : memref<10000xf32, #tpu.memory_space<hbm>>) target_semaphore(%run_scoped3A : memref<!tpu.dma_semaphore, #tpu.memory_space<semaphore_mem>>)
      %dma_wait3A = tpu.memref_slice %arg4[%multiple_of3A] : memref<320000xf32, #tpu.memory_space<hbm>> -> memref<10000xf32, #tpu.memory_space<hbm>>
      %dma_wait3A_18 = tpu.memref_slice %arg4[%multiple_of3A] : memref<320000xf32, #tpu.memory_space<hbm>> -> memref<10000xf32, #tpu.memory_space<hbm>>
      tpu.wait_dma2 semaphore(%run_scoped3A : memref<!tpu.dma_semaphore, #tpu.memory_space<semaphore_mem>>) src(%arg7 : memref<10000xf32, #tpu.memory_space<vmem>>) dst(%dma_wait3A_18 : memref<10000xf32, #tpu.memory_space<hbm>>)
      tpu.yield
    }) : () -> ()
    return
  }
}

</mosaic_0001>

<sc_bundles>
// kernel: _sc_deg.3.cloned.1.call-start
scs
__scs_entry_jumppad:
0x0: {  	(pc) =	sbr.rel $0x88, $3  }
0x1: {  	(tag) =	ssettag $0x0;
	lr =	simm.s32 $0x1  }
0x2: {  	[smem:$0x3F9F] =	sst lr;
	_ =	strace $0xD0000000  }
0x3: {  	_ = 	snop  }
0x4: {  	_ = 	snop  }
0x5: {  	_ = 	snop  }
0x6: {  	_ = 	snop  }
0x7: {  	_ = 	snop  }
__scs_overlays_trampoline_lowered:
0x8: {  	[smem:$0x3FAE] =	sst s0  }
0x9: {  	[smem:$0x3FAF] =	sst s1  }
0xa: {  	[smem:$0x3FB0] =	sst s2  }
0xb: {  	[smem:$0x3FB1] =	sst s3  }
0xc: {  	[smem:$0x3FB2] =	sst s4  }
0xd: {  	[smem:$0x3FB3] =	sst s5  }
0xe: {  	[smem:$0x3FB4] =	sst s6  }
0xf: {  	[smem:$0x3FB5] =	sst s7  }
0x10: {  	[smem:$0x3FB6] =	sst s8  }
0x11: {  	[smem:$0x3FB7] =	sst s9;
	s0 =	simm.s32 @!p0 $0x0  }
0x12: {  	s1 =	sld [smem:$0x3F9D];
	s0 =	simm.s32 @p0 $0x1  }
0x13: {  	[smem:$0x3FB8] =	sst s0;
	s0 =	simm.s32 @!p1 $0x0  }
0x14: {  	s2 =	sld [smem:$0x3F9C];
	s0 =	simm.s32 @p1 $0x1  }
0x15: {  	[smem:$0x3FB9] =	sst s0;
	s0 =	simm.s32 @!p2 $0x0  }
0x16: {  	s3 =	sld [smem:$0x3FDB];
	s0 =	simm.s32 @p2 $0x1  }
0x17: {  	s4 =	simm.s32 $0x1BF5;
	[smem:$0x3FBB] =	sst s0  }
0x18: {  	s0 =	sld [smem:$0x3F9E];
	_ =	swait.ge [sflag:s4], $0x0  }
0x19: {  	s7 =	sld [smem:$0x3F9F]  }
0x1a: {  	s8 =	sadd.s32 $0xFFFFE003, lr  }
0x1b: {  	s9 =	sadd.s32 $0xFFFFFEF7, lr;
	s5 =	simm.s32 $0xFFFFFFFF;
	p2 =	slt.u32 s8, $0xFFFFF086  }
0x1c: {  	p1 =	slt.u32 s9, $0xF7A;
	s5 =	simm.s32 @!p2 $0x0  }
0x1d: {  	s5 =	simm.s32 @p1 $0x1;
	p0 =	seq.s32 s7, s2  }
0x1e: {  	s7 =	smul.u32 @!p0 $0xF7A, s2;
	p2 =	seq.s32 @!p0 s5, $0x0  }
0x1f: {  	s9 =	smul.u32 $0xF7A, s1;
	s8 =	simm.s32 @!p0 $0x1BF5;
	p2 =	por !p2, p0  }
0x20: {  	[sflag:s8] =	ssyncset.s32 @!p0 $0xFFFFF086;
	s6 =	sadd.s32 @!p0 s3, s7;
	s7 =	simm.s32 @!p0 $0x108  }
0x21: {  	s3 =	sadd.s32 s3, s9;
	s6 =	sadd.s32 @!p0 $0x88, s6;
	s7 =	simm.s32 @p2 $0x1082  }
0x22: {  	[simem:s7], [sflag:s8] =	dma.local @!p0 [hbm:s6], $0xF7A  }
0x23: {  	s9 =	sor.u32 $0xD0000000, s2;
	s6 =	simm.s32 $0x108;
	_ =	swait.ge @!p0 [sflag:s8], $0x0  }
0x24: {  	s3 =	sadd.s32 $0x88, s3;
	s6 =	simm.s32 @!p1 $0x1082;
	[sflag:s4] =	ssyncset.s32 $0xFFFFF086  }
0x25: {  	[simem:s6], [sflag:s4] =	dma.local [hbm:s3], $0xF7A  }
0x26: {  	[smem:$0x3F9F] =	sst s1;
	(tag) =	ssettag s2;
	_ =	strace s9  }
0x27: {  	s1 =	sld [smem:$0x3FAF]  }
0x28: {  	s2 =	sld [smem:$0x3FB0]  }
0x29: {  	s4 =	sld [smem:$0x3FB2]  }
0x2a: {  	p0 =	seq.s32 s5, $0x0;
	s5 =	sld [smem:$0x3FB3]  }
0x2b: {  	s6 =	sld [smem:$0x3FB4]  }
0x2c: {  	s7 =	sld [smem:$0x3FB5]  }
0x2d: {  	s3 =	simm.s32 $0x108;
	s8 =	sld [smem:$0x3FB6]  }
0x2e: {  	s3 =	simm.s32 @!p0 $0x1082;
	s9 =	sld [smem:$0x3FB7]  }
0x2f: {  	lr =	sadd.s32 s0, s3;
	s0 =	sld [smem:$0x3FAE]  }
0x30: {  	s3 =	sld [smem:$0x3FB1]  }
0x31: {  	[smem:$0x3FBA] =	sst s10  }
0x32: {  	s10 =	sld [smem:$0x3FB8];
	_ =	sdelay $0x3  }
0x33: {  	p0 =	seq.s32 s10, $0x1;
	s10 =	sld [smem:$0x3FBA];
	_ =	sdelay $0x3  }
0x34: {  	[smem:$0x3FBA] =	sst s10  }
0x35: {  	s10 =	sld [smem:$0x3FB9];
	_ =	sdelay $0x3  }
0x36: {  	p1 =	seq.s32 s10, $0x1;
	s10 =	sld [smem:$0x3FBA];
	_ =	sdelay $0x3  }
0x37: {  	[smem:$0x3FBA] =	sst s10  }
0x38: {  	s10 =	sld [smem:$0x3FBB]  }
0x39: {  	_ = 	snop;
	(pc) =	sbr.ind lr, $3  }
0x3a: {  	_ = 	snop  }
0x3b: {  	_ = 	snop  }
0x3c: {  	p2 =	seq.s32 s10, $0x1;
	s10 =	sld [smem:$0x3FBA]  }
0x3d: {  	_ =	shalt  }
0x3e: {  	_ =	shalt  }
0x3f: {  	_ =	shalt  }
0x40: {  	_ =	shalt  }
0x41: {  	_ =	shalt  }
0x42: {  	_ =	shalt  }
0x43: {  	_ =	shalt  }
0x44: {  	_ =	shalt  }
0x45: {  	_ =	shalt  }
0x46: {  	_ =	shalt  }
0x47: {  	_ =	shalt  }
0x48: {  	_ =	shalt  }
0x49: {  	_ =	shalt  }
0x4a: {  	_ =	shalt  }
0x4b: {  	_ =	shalt  }
0x4c: {  	_ =	shalt  }
0x4d: {  	_ =	shalt  }
0x4e: {  	_ =	shalt  }
0x4f: {  	_ =	shalt  }
0x50: {  	_ =	shalt  }
0x51: {  	_ =	shalt  }
0x52: {  	_ =	shalt  }
0x53: {  	_ =	shalt  }
0x54: {  	_ =	shalt  }
0x55: {  	_ =	shalt  }
0x56: {  	_ =	shalt  }
0x57: {  	_ =	shalt  }
0x58: {  	_ =	shalt  }
0x59: {  	_ =	shalt  }
0x5a: {  	_ =	shalt  }
0x5b: {  	_ =	shalt  }
0x5c: {  	_ =	shalt  }
0x5d: {  	_ =	shalt  }
0x5e: {  	_ =	shalt  }
0x5f: {  	_ =	shalt  }
0x60: {  	_ =	shalt  }
0x61: {  	_ =	shalt  }
0x62: {  	_ =	shalt  }
0x63: {  	_ =	shalt  }
0x64: {  	_ =	shalt  }
0x65: {  	_ =	shalt  }
0x66: {  	_ =	shalt  }
0x67: {  	_ =	shalt  }
0x68: {  	_ =	shalt  }
0x69: {  	_ =	shalt  }
0x6a: {  	_ =	shalt  }
0x6b: {  	_ =	shalt  }
0x6c: {  	_ =	shalt  }
0x6d: {  	_ =	shalt  }
0x6e: {  	_ =	shalt  }
0x6f: {  	_ =	shalt  }
0x70: {  	_ =	shalt  }
0x71: {  	_ =	shalt  }
0x72: {  	_ =	shalt  }
0x73: {  	_ =	shalt  }
0x74: {  	_ =	shalt  }
0x75: {  	_ =	shalt  }
0x76: {  	_ =	shalt  }
0x77: {  	_ =	shalt  }
0x78: {  	_ =	shalt  }
0x79: {  	_ =	shalt  }
0x7a: {  	_ =	shalt  }
0x7b: {  	_ =	shalt  }
0x7c: {  	_ =	shalt  }
0x7d: {  	_ =	shalt  }
0x7e: {  	_ =	shalt  }
0x7f: {  	_ =	shalt  }
0x80: {  	_ =	shalt  }
0x81: {  	_ =	shalt  }
0x82: {  	_ =	shalt  }
0x83: {  	_ =	shalt  }
0x84: {  	_ =	shalt  }
0x85: {  	_ =	shalt  }
0x86: {  	_ =	shalt  }
0x87: {  	_ =	shalt  }
.Lfunc_end0:
.L_simem_size_0:
called_computation_lowered:
.L_overlay_start_0:
0x88: {  	s2 =	sld [smem:$0x3FD9]  }
0x89: {  	s3 =	sld [smem:$0x3FFE];
	_ =	sdelay $0x1  }
0x8a: {  	s1 =	srdreg.scid  }
0x8b: {  	s0 =	sand.u32 $0x1, s1  }
0x8c: {  	s18 =	sshll.u32 s0, $0xA;
	s2 =	sadd.s32 s3, s2  }
0x8d: {  	s2 =	sadd.s32 s2, s18  }
0x8e: {  	[smem:$0x3FC6] =	sst s2  }
0x8f: {  	_ = 	snop  }
0x90: {  	s2 =	sld [smem:$0x3FC9]  }
0x91: {  	s19 =	sld [smem:$0x3FC8]  }
0x92: {  	s4 =	sld [smem:$0x3FD0];
	(tm) =	ssettm $0x1  }
0x93: {  	s5 =	sld [smem:$0x3FFB];
	_ =	sdelay $0x3  }
0x94: {  	_ =	strace s5  }
0x95: {  	s5 =	sld [smem:$0x3FFC];
	_ =	sdelay $0x3  }
0x96: {  	_ =	strace s5  }
0x97: {  	s5 =	sld [smem:$0x3FFD];
	_ =	sdelay $0x3  }
0x98: {  	_ =	strace s5  }
0x99: {  	_ =	strace $0x8FFFFFFF  }
0x9a: {  	s20 =	sld [smem:$0x3FDB];
	_ =	sdelay $0x1  }
0x9b: {  	s6 =	simm.s32 $_scs_section_size  }
0x9c: {  	s7 =	simm.s32 $_size__tile_overlayer_lowered;
	s8 =	simm.s32 $_tile_overlayer_lowered  }
0x9d: {  	s23 =	simm.s32 $0x1BFF;
	s22 =	sshll.u32 s8, $0x1;
	s5 =	sadd.s32 s6, s20  }
0x9e: {  	s9 =	simm.s32 $0x0;
	s21 =	sshll.u32 s7, $0x1;
	s7 =	sadd.s32 s22, s5  }
0x9f: {  	[timem:s9], [sflag:s23] =	dma.local [hbm:s7], s21  }
0xa0: {  	_ =	swait.ge [sflag:s23], s21  }
0xa1: {  	s6 =	ssub.s32 $0x0, s21;
	[sflag:s23] =	ssyncset.done $0x0  }
0xa2: {  	[sflag:s23] =	ssyncadd.s32 s6;
	_ =	sdelay $0x1  }
0xa3: {  	s24 =	simm.s32 $0x1B8B  }
0xa4: {  	_ =	swait.ge [sflag:s24], $0x1  }
0xa5: {  	[sflag:s24] =	ssyncset.done $0x0  }
0xa6: {  	s25 =	simm.s32 $0x1B8E;
	[sflag:s24] =	ssyncadd.s32 $0xFFFFFFFF  }
0xa7: {  	s26 =	simm.s32 $execute0_lowered;
	[smem:$0x3FD2] =	sst s25  }
0xa8: {  	s6 =	sshll.u32 s26, $0x1;
	_ =	strace $0x80000046;
	[dreg:$0x1] =	wrdreg $0xFFFFFFFF  }
0xa9: {  	s28 =	simm.s32 $_size_execute0_lowered;
	s5 =	sadd.s32 s5, s6;
	[dreg:$0x0] =	wrdreg $0x0  }
0xaa: {  	s6 =	sshll.u32 s28, $0x1;
	[dreg:$0x2] =	wrdreg s5  }
0xab: {  	[dreg:$0x3] =	wrdreg s6  }
0xac: {  	[dreg:$0x4] =	wrdreg $0xC0  }
0xad: {  	_ =	task [dreg:s9], $0x5FFFF  }
0xae: {  	[dreg:$0x1] =	wrdreg $0xFFFFFFFF  }
0xaf: {  	[dreg:$0x0] =	wrdreg $0x60  }
0xb0: {  	[dreg:$0x2] =	wrdreg s2  }
0xb1: {  	[dreg:$0x3] =	wrdreg s19  }
0xb2: {  	[dreg:$0x4] =	wrdreg s4  }
0xb3: {  	[dreg:$0x5] =	wrdreg $0x9  }
0xb4: {  	_ =	task.clear_ibuf [dreg:s9], $0x6FFFF;
	_ =	strace $0x90000046  }
0xb5: {  	s29 =	simm.s32 $0x9;
	_ =	strace $0x80000048  }
0xb6: {  	_ =	swait.ge [sflag:s29], $0x1  }
0xb7: {  	[sflag:s29] =	ssyncadd.s32 $0xFFFFFFFF  }
0xb8: {  	_ =	strace $0x90000048  }
0xb9: {  	_ =	sfence  }
0xba: {  	s30 =	sld [smem:$0x0];
	_ =	sdelay $0x2  }
0xbb: {  	s31 =	sshll.u32 s1, $0xD;
	s1 =	sshrl.u32 s1, $0x2  }
0xbc: {  	s3 =	sand.u32 $0x4000, s31;
	s1 =	sadd.s32 s1, s30  }
0xbd: {  	s0 =	sor.u32 s3, s0;
	s1 =	sshll.u32 s1, $0x11  }
0xbe: {  	s0 =	sor.u32 s1, s0  }
0xbf: {  	s0 =	sadd.s32 $0x8F2B, s0  }
0xc0: {  	[sflag:s0] =	ssyncadd.remote.s32 $0x1  }
0xc1: {  	_ =	sfence.sel $0xFFFF  }
0xc2: {  	[dreg:$0x0] =	wrdreg $0xFFFFFFFF;
	(pc) =	sbr.abs _section_cstart, $3  }
0xc3: {  	[dreg:$0x1] =	wrdreg $0xFFFFFFFF  }
0xc4: {  	_ =	task.clear_ibuf [dreg:s9], $0x2FFFF;
	_ =	strace $0x9FFFFFFF  }
0xc5: {  	(tm) =	ssettm $0x7FFFFFFF  }
tec
execute0_lowered:
.L_overlay_start_1:
0x0: {  	(tag) =	ssettag $0x1  }
0x1: {  	s3 =	rddreg [dreg:$0x0]  }
0x2: {  	s0 =	srdreg.scid;
	s4 =	rddreg [dreg:$0x1]  }
0x3: {  	s6 =	rddreg [dreg:$0x2];
	s1 =	stileid.u32;
	s5 =	sand.u32 $0x1, s0  }
0x4: {  	s2 =	simm.s32 $0x0;
	s9 =	simm.s32 $0x4F00;
	s7 =	sshll.u32 s5, $0x4  }
0x5: {  	s10 =	simm.s32 $0x0;
	s5 =	ssub.s32 $0x2, s5;
	s7 =	sor.u32 s1, s7  }
0x6: {  	[smem:$0x7FF] =	sst s2;
	s8 =	sshrl.u32 s5, $0x1;
	s7 =	smul.u32 $0x4E2, s7  }
0x7: {  	s0 =	rddreg [dreg:$0x3];
	_ =	strace $0x80000047;
	s8 =	ssub.s32 s5, s8  }
0x8: {  	s3 =	sadd.s32 s3, s7;
	s4 =	sadd.s32 s4, s7;
	s5 =	sadd.s32 s6, s7  }
0x9: {  	v0 =	vimm.f32 $0.0e+00;
	s6 =	smax.u32 s8, $0x1;
	s7 =	simm.s32 $0x1;
	s8 =	simm.s32 $0x2780  }
.LBB2_1:
0xa: {  	s11 =	simm.s32 $0x40;
	s12 =	simm.s32 $0x0  }
.LBB2_2:
0xb: {  	p0 =	sne.s32 s11, $0x9C00;
	[tilespmem:s12+$0x4F00] =	vst v0;
	s12 =	smov.u32 s11;
	s11 =	sadd.s32 $0x40, s11  }
.Ltmp0:
0xc: {  	(pc) =	sbr.rel @p0 .LBB2_2-.Ltmp0, $2  }
0xd: {  	_ =	sdelay $0x2  }
0xe: {  	s12 =	sshra.s32 s12, $0x2  }
0xf: {  	[tilespmem:s12+$0x4F00] =	vst v0;
	s11 =	simm.s32 $0x0  }
0x10: {  	[tilespmem:s11], [sflag:$0x1] =	stream.linear.gather [hbm4b:s3+s11], $0x2710, $0x38;
	[tilespmem:$0x7680] =	vst v63  }
0x11: {  	_ =	swait.ge [sflag:s7], $0x2710  }
0x12: {  	[sflag:s7] =	ssyncset.done $0x0  }
0x13: {  	[sflag:s7] =	ssyncadd.s32 $0xFFFFD8F0  }
0x14: {  	[tilespmem:s8], [sflag:$0x1] =	stream.linear.gather [hbm4b:s4+s11], $0x2710, $0x38;
	[tilespmem:$0x7680] =	vst v63  }
0x15: {  	_ =	swait.ge [sflag:s7], $0x2710  }
0x16: {  	[sflag:s7] =	ssyncset.done $0x0  }
0x17: {  	s12 =	simm.s32 $0x0;
	s11 =	simm.s32 $0x40;
	[sflag:s7] =	ssyncadd.s32 $0xFFFFD8F0  }
.LBB2_4:
0x18: {  	p0 =	sne.s32 s11, $0x9C00;
	v1 =	vld [tilespmem:s12+$0x0];
	_ =	sdelay $0x2  }
0x19: {  	v2 =	vld [tilespmem:s12+$0x2780]  }
.Ltmp1:
0x1a: {  	(pc) =	sbr.rel @p0 .LBB2_4-.Ltmp1, $2  }
0x1b: {  	_ =	sdelay $0x2  }
0x1c: {  	s12 =	sshra.s32 s11, $0x2;
	s11 =	sadd.s32 $0x40, s11;
	[tilespmem:v1+s9+$0x0] =	vst.idx.add.f32.msk $0xffff, v2  }
0x1d: {  	v1 =	vld [tilespmem:s12+$0x0];
	_ =	sdelay $0x2  }
0x1e: {  	v2 =	vld [tilespmem:s12+$0x2780];
	_ =	sdelay $0x2  }
0x1f: {  	s10 =	sadd.s32 $0x1, s10  }
0x20: {  	p0 =	sne.s32 s10, s6  }
.Ltmp2:
0x21: {  	[tilespmem:v1+s9+$0x0] =	vst.idx.add.f32.msk $0xffff, v2;
	(pc) =	sbr.rel @p0 .LBB2_1-.Ltmp2, $4  }
0x22: {  	[hbm4b:s5+s2] =	stream.linear.scatter [tilespmem:s9], [sflag:$0x1], $0x2710, $0x38;
	[tilespmem:$0x7680] =	vst v63  }
0x23: {  	_ =	swait.ge [sflag:s7], $0x2710  }
0x24: {  	[sflag:s7] =	ssyncset.done $0x0  }
0x25: {  	[sflag:s7] =	ssyncadd.s32 $0xFFFFD8F0  }
0x26: {  	_ =	sfence.sel $0x180000  }
0x27: {  	[bflag:$0x0] =	sbarrier.arrive $0xFFFF  }
0x28: {  	p0 =	sne.s32 s1, $0x0;
	_ =	strace $0x90000047  }
0x29: {  	s0 =	sadd.s32 @!p0 $0x100000, s0;
	[bflag:$0x2] =	sbarrier.arrive $0xFFFF  }
0x2a: {  	[sflag:s0] =	ssyncadd.tile.s32 @!p0 $0x1;
	_ =	shalt  }
.Lfunc_end2:
_tile_overlayer_lowered:
.L_overlay_start_2:
0x2b: {  	(tag) =	ssettag $0x2  }
0x2c: {  	s0 =	rddreg [dreg:$0x0];
	s2 =	stileid.u32  }
0x2d: {  	s1 =	rddreg [dreg:$0x1];
	p0 =	sne.s32 s2, $0x0  }
0x2e: {  	s3 =	rddreg [dreg:$0x2];
	[bflag:$0x3] =	sbarrier.arrive $0xFFFF;
	s2 =	simm.s32 @!p0 $0x1C01  }
0x2f: {  	[timem:s3], [sflag:s2] =	dma.local @!p0 [hbm:s0], s1  }
0x30: {  	s0 =	simm.s32 @!p0 $0x1  }
0x31: {  	_ =	swait.ge @!p0 [sflag:s0], s1  }
0x32: {  	s1 =	ssub.s32 @!p0 $0x0, s1;
	[sflag:s0] =	ssyncset.done @!p0 $0x0  }
0x33: {  	[sflag:s0] =	ssyncadd.s32 @!p0 s1  }
0x34: {  	[bflag:$0x3] =	sbarrier.arrive $0xFFFF  }
0x35: {  	_ =	shalt  }

</sc_bundles>
